<compile_context>
chip_gen: v7x
topology: tpu7x:2x2x1
jax: 0.10.2.dev20260603
libtpu: 0.0.44.dev20260713+nightly
codegen_flags: <defaults>
</compile_context>

<pallas_src>
import functools

import jax
import jax.numpy as jnp
from jax import lax
from jax.experimental import pallas as pl
from jax.experimental.pallas import tpu as pltpu
from jax.experimental.pallas import tpu_sc as plsc

B = 16384
POS_DIM = 42
SIDE_DIM = 22


@functools.cache
def _build():
    info = plsc.get_sparse_core_info()
    NC, NS = info.num_cores, info.num_subcores
    NW = NC * NS
    bw = B // NW
    mesh = plsc.VectorSubcoreMesh(core_axis_name="c", subcore_axis_name="s")

    @functools.partial(
        pl.kernel,
        mesh=mesh,
        compiler_params=pltpu.CompilerParams(
            use_tc_tiling_on_sc=True, needs_layout_passes=False,
            skip_device_barrier=True, disable_bounds_checks=True,
            disable_semaphore_checks=True),
        out_type=(
            jax.ShapeDtypeStruct((B, POS_DIM), jnp.float32),
            jax.ShapeDtypeStruct((B, SIDE_DIM), jnp.float32),
        ),
        scratch_types=[
            pltpu.VMEM((bw,), jnp.int32),
            pltpu.VMEM((bw // 2, POS_DIM), jnp.float32),
            pltpu.VMEM((bw // 2, SIDE_DIM), jnp.float32),
        ],
    )
    def k(item_hbm, side_hbm, pos_hbm, stab_hbm, opos_hbm, oside_hbm,
          iidx_v, pos_v, side_v):
        wid = lax.axis_index("s") * NC + lax.axis_index("c")
        base = wid * bw
        half = bw // 2
        pltpu.sync_copy(item_hbm.at[pl.ds(base, bw)], iidx_v)
        for h in range(2):
            pltpu.sync_copy(pos_v, opos_hbm.at[pl.ds(base + h * half, half)])
            pltpu.sync_copy(side_v, oside_hbm.at[pl.ds(base + h * half, half)])

    return k


def kernel(item_idx, side_idx, pos_table, side_table):
    opos, oside = _build()(item_idx, side_idx, pos_table, side_table)
    return opos, oside

# --- scband reference (transcript-rebuilt; emitter-appended) ---
"""Pipeline reference for scband-item-embeddings-31550829756890 (READ-ONLY COPY).

The authoritative reference and input builder live on the scoring server;
editing this copy changes nothing except your own understanding.
"""

import jax, jax.numpy as jnp
import numpy as np

N_ITEM = 1000000
EMBED_SIZE = 128
N_SIDE = 100
TOTAL = EMBED_SIZE // 2            # 64
POS_DIM = int(TOTAL / 1.5)         # 42
SIDE_DIM = TOTAL - POS_DIM         # 22
BATCH = 16384


def setup_inputs(seed: int = 0) -> dict:
    key = jax.random.key(seed)
    k1, k2, k3, k4 = jax.random.split(key, 4)
    item_idx = jax.random.randint(k1, (BATCH,), 0, N_ITEM, dtype=jnp.int32)
    side_idx = jax.random.randint(k2, (BATCH,), 0, N_SIDE, dtype=jnp.int32)
    # learned parameters: two embedding tables (as in nn.Embedding)
    pos_table = jax.random.normal(k3, (N_ITEM, POS_DIM), dtype=jnp.float32)
    side_table = jax.random.normal(k4, (N_SIDE, SIDE_DIM), dtype=jnp.float32)
    return {"item_idx": item_idx, "side_idx": side_idx,
            "pos_table": pos_table, "side_table": side_table}


def reference(item_idx, side_idx, pos_table, side_table):
    # Faithful translation of ItemEmbeddings.positional_embeddings():
    #   one_hot  = emb_layer(item)         -> gather from pos_table
    #   dim_info = emb_layer_side(side)    -> gather from side_table
    #   pos[item] = concat([one_hot, dim_info])
    one_hot = jnp.take(pos_table, item_idx, axis=0)     # [B, POS_DIM]
    dim_info = jnp.take(side_table, side_idx, axis=0)   # [B, SIDE_DIM]
    out = jnp.concatenate([one_hot, dim_info], axis=-1) # [B, TOTAL]
    return out

if __name__ == "__main__":
    import jax
    _d = setup_inputs()
    print(jax.jit(kernel)(*tuple(_d.values())))

</pallas_src>

<mosaic_0001>
#map = affine_map<(d0, d1) -> (0)>
#map1 = affine_map<(d0, d1) -> (0, 0)>
module attributes {stable_mosaic.version = 14 : i64} {
  func.func @k(%arg0: i32, %arg1: i32, %arg2: memref<16384xi32, #tpu.memory_space<hbm>>, %arg3: memref<16384xi32, #tpu.memory_space<hbm>>, %arg4: memref<1000000x42xf32, #tpu.memory_space<hbm>>, %arg5: memref<100x22xf32, #tpu.memory_space<hbm>>, %arg6: memref<16384x42xf32, #tpu.memory_space<hbm>>, %arg7: memref<16384x22xf32, #tpu.memory_space<hbm>>, %arg8: memref<512xi32, #tpu.memory_space<vmem>>, %arg9: memref<256x42xf32, #tpu.memory_space<vmem>>, %arg10: memref<256x22xf32, #tpu.memory_space<vmem>>) attributes {dimension_semantics = [#tpu.dimension_semantics<core_parallel>, #tpu.dimension_semantics<subcore_parallel>], iteration_bounds = array<i64: 2, 16>, scalar_prefetch = 0 : i64, scratch_operands = 3 : i64, tpu.core_type = #tpu.core_type<sc_vector_subcore>, window_params = [{transform_indices = #map}, {transform_indices = #map}, {transform_indices = #map1}, {transform_indices = #map1}, {transform_indices = #map1}, {transform_indices = #map1}]} {
    %mul3A = arith.constant 2 : i32
    %mul3A_0 = arith.muli %arg1, %mul3A : i32
    %add3A = arith.addi %mul3A_0, %arg0 : i32
    %mul3A_1 = arith.constant 512 : i32
    %mul3A_2 = arith.muli %add3A, %mul3A_1 : i32
    "tpu.region"() ({
      %run_scoped3A = tpu.sem_alloc : memref<!tpu.dma_semaphore, #tpu.memory_space<semaphore_mem>>
      %dma_start3A = tpu.memref_slice %arg2[%mul3A_2] : memref<16384xi32, #tpu.memory_space<hbm>> -> memref<512xi32, #tpu.memory_space<hbm>>
      %dma_start3A_11 = tpu.memref_slice %arg2[%mul3A_2] : memref<16384xi32, #tpu.memory_space<hbm>> -> memref<512xi32, #tpu.memory_space<hbm>>
      tpu.enqueue_dma source(%dma_start3A_11 : memref<512xi32, #tpu.memory_space<hbm>>) target(%arg8 : memref<512xi32, #tpu.memory_space<vmem>>) target_semaphore(%run_scoped3A : memref<!tpu.dma_semaphore, #tpu.memory_space<semaphore_mem>>)
      %dma_wait3A = tpu.memref_slice %arg2[%mul3A_2] : memref<16384xi32, #tpu.memory_space<hbm>> -> memref<512xi32, #tpu.memory_space<hbm>>
      %dma_wait3A_12 = tpu.memref_slice %arg2[%mul3A_2] : memref<16384xi32, #tpu.memory_space<hbm>> -> memref<512xi32, #tpu.memory_space<hbm>>
      tpu.wait_dma2 semaphore(%run_scoped3A : memref<!tpu.dma_semaphore, #tpu.memory_space<semaphore_mem>>) src(%dma_wait3A_12 : memref<512xi32, #tpu.memory_space<hbm>>) dst(%arg8 : memref<512xi32, #tpu.memory_space<vmem>>)
      tpu.yield
    }) : () -> ()
    %add3A_3 = arith.constant 0 : i32
    %add3A_4 = arith.addi %mul3A_2, %add3A_3 : i32
    "tpu.region"() ({
      %run_scoped3A = tpu.sem_alloc : memref<!tpu.dma_semaphore, #tpu.memory_space<semaphore_mem>>
      %dma_start3A = arith.constant 0 : i32
      %dma_start3A_11 = tpu.memref_slice %arg6[%add3A_4, %dma_start3A] : memref<16384x42xf32, #tpu.memory_space<hbm>> -> memref<256x42xf32, #tpu.memory_space<hbm>>
      %dma_start3A_12 = arith.constant 0 : i32
      %dma_start3A_13 = tpu.memref_slice %arg6[%add3A_4, %dma_start3A_12] : memref<16384x42xf32, #tpu.memory_space<hbm>> -> memref<256x42xf32, #tpu.memory_space<hbm>>
      tpu.enqueue_dma source(%arg9 : memref<256x42xf32, #tpu.memory_space<vmem>>) target(%dma_start3A_13 : memref<256x42xf32, #tpu.memory_space<hbm>>) target_semaphore(%run_scoped3A : memref<!tpu.dma_semaphore, #tpu.memory_space<semaphore_mem>>)
      %dma_wait3A = arith.constant 0 : i32
      %dma_wait3A_14 = tpu.memref_slice %arg6[%add3A_4, %dma_wait3A] : memref<16384x42xf32, #tpu.memory_space<hbm>> -> memref<256x42xf32, #tpu.memory_space<hbm>>
      %dma_wait3A_15 = arith.constant 0 : i32
      %dma_wait3A_16 = tpu.memref_slice %arg6[%add3A_4, %dma_wait3A_15] : memref<16384x42xf32, #tpu.memory_space<hbm>> -> memref<256x42xf32, #tpu.memory_space<hbm>>
      tpu.wait_dma2 semaphore(%run_scoped3A : memref<!tpu.dma_semaphore, #tpu.memory_space<semaphore_mem>>) src(%arg9 : memref<256x42xf32, #tpu.memory_space<vmem>>) dst(%dma_wait3A_16 : memref<256x42xf32, #tpu.memory_space<hbm>>)
      tpu.yield
    }) : () -> ()
    %add3A_5 = arith.constant 0 : i32
    %add3A_6 = arith.addi %mul3A_2, %add3A_5 : i32
    "tpu.region"() ({
      %run_scoped3A = tpu.sem_alloc : memref<!tpu.dma_semaphore, #tpu.memory_space<semaphore_mem>>
      %dma_start3A = arith.constant 0 : i32
      %dma_start3A_11 = tpu.memref_slice %arg7[%add3A_6, %dma_start3A] : memref<16384x22xf32, #tpu.memory_space<hbm>> -> memref<256x22xf32, #tpu.memory_space<hbm>>
      %dma_start3A_12 = arith.constant 0 : i32
      %dma_start3A_13 = tpu.memref_slice %arg7[%add3A_6, %dma_start3A_12] : memref<16384x22xf32, #tpu.memory_space<hbm>> -> memref<256x22xf32, #tpu.memory_space<hbm>>
      tpu.enqueue_dma source(%arg10 : memref<256x22xf32, #tpu.memory_space<vmem>>) target(%dma_start3A_13 : memref<256x22xf32, #tpu.memory_space<hbm>>) target_semaphore(%run_scoped3A : memref<!tpu.dma_semaphore, #tpu.memory_space<semaphore_mem>>)
      %dma_wait3A = arith.constant 0 : i32
      %dma_wait3A_14 = tpu.memref_slice %arg7[%add3A_6, %dma_wait3A] : memref<16384x22xf32, #tpu.memory_space<hbm>> -> memref<256x22xf32, #tpu.memory_space<hbm>>
      %dma_wait3A_15 = arith.constant 0 : i32
      %dma_wait3A_16 = tpu.memref_slice %arg7[%add3A_6, %dma_wait3A_15] : memref<16384x22xf32, #tpu.memory_space<hbm>> -> memref<256x22xf32, #tpu.memory_space<hbm>>
      tpu.wait_dma2 semaphore(%run_scoped3A : memref<!tpu.dma_semaphore, #tpu.memory_space<semaphore_mem>>) src(%arg10 : memref<256x22xf32, #tpu.memory_space<vmem>>) dst(%dma_wait3A_16 : memref<256x22xf32, #tpu.memory_space<hbm>>)
      tpu.yield
    }) : () -> ()
    %add3A_7 = arith.constant 256 : i32
    %add3A_8 = arith.addi %mul3A_2, %add3A_7 : i32
    "tpu.region"() ({
      %run_scoped3A = tpu.sem_alloc : memref<!tpu.dma_semaphore, #tpu.memory_space<semaphore_mem>>
      %dma_start3A = arith.constant 0 : i32
      %dma_start3A_11 = tpu.memref_slice %arg6[%add3A_8, %dma_start3A] : memref<16384x42xf32, #tpu.memory_space<hbm>> -> memref<256x42xf32, #tpu.memory_space<hbm>>
      %dma_start3A_12 = arith.constant 0 : i32
      %dma_start3A_13 = tpu.memref_slice %arg6[%add3A_8, %dma_start3A_12] : memref<16384x42xf32, #tpu.memory_space<hbm>> -> memref<256x42xf32, #tpu.memory_space<hbm>>
      tpu.enqueue_dma source(%arg9 : memref<256x42xf32, #tpu.memory_space<vmem>>) target(%dma_start3A_13 : memref<256x42xf32, #tpu.memory_space<hbm>>) target_semaphore(%run_scoped3A : memref<!tpu.dma_semaphore, #tpu.memory_space<semaphore_mem>>)
      %dma_wait3A = arith.constant 0 : i32
      %dma_wait3A_14 = tpu.memref_slice %arg6[%add3A_8, %dma_wait3A] : memref<16384x42xf32, #tpu.memory_space<hbm>> -> memref<256x42xf32, #tpu.memory_space<hbm>>
      %dma_wait3A_15 = arith.constant 0 : i32
      %dma_wait3A_16 = tpu.memref_slice %arg6[%add3A_8, %dma_wait3A_15] : memref<16384x42xf32, #tpu.memory_space<hbm>> -> memref<256x42xf32, #tpu.memory_space<hbm>>
      tpu.wait_dma2 semaphore(%run_scoped3A : memref<!tpu.dma_semaphore, #tpu.memory_space<semaphore_mem>>) src(%arg9 : memref<256x42xf32, #tpu.memory_space<vmem>>) dst(%dma_wait3A_16 : memref<256x42xf32, #tpu.memory_space<hbm>>)
      tpu.yield
    }) : () -> ()
    %add3A_9 = arith.constant 256 : i32
    %add3A_10 = arith.addi %mul3A_2, %add3A_9 : i32
    "tpu.region"() ({
      %run_scoped3A = tpu.sem_alloc : memref<!tpu.dma_semaphore, #tpu.memory_space<semaphore_mem>>
      %dma_start3A = arith.constant 0 : i32
      %dma_start3A_11 = tpu.memref_slice %arg7[%add3A_10, %dma_start3A] : memref<16384x22xf32, #tpu.memory_space<hbm>> -> memref<256x22xf32, #tpu.memory_space<hbm>>
      %dma_start3A_12 = arith.constant 0 : i32
      %dma_start3A_13 = tpu.memref_slice %arg7[%add3A_10, %dma_start3A_12] : memref<16384x22xf32, #tpu.memory_space<hbm>> -> memref<256x22xf32, #tpu.memory_space<hbm>>
      tpu.enqueue_dma source(%arg10 : memref<256x22xf32, #tpu.memory_space<vmem>>) target(%dma_start3A_13 : memref<256x22xf32, #tpu.memory_space<hbm>>) target_semaphore(%run_scoped3A : memref<!tpu.dma_semaphore, #tpu.memory_space<semaphore_mem>>)
      %dma_wait3A = arith.constant 0 : i32
      %dma_wait3A_14 = tpu.memref_slice %arg7[%add3A_10, %dma_wait3A] : memref<16384x22xf32, #tpu.memory_space<hbm>> -> memref<256x22xf32, #tpu.memory_space<hbm>>
      %dma_wait3A_15 = arith.constant 0 : i32
      %dma_wait3A_16 = tpu.memref_slice %arg7[%add3A_10, %dma_wait3A_15] : memref<16384x22xf32, #tpu.memory_space<hbm>> -> memref<256x22xf32, #tpu.memory_space<hbm>>
      tpu.wait_dma2 semaphore(%run_scoped3A : memref<!tpu.dma_semaphore, #tpu.memory_space<semaphore_mem>>) src(%arg10 : memref<256x22xf32, #tpu.memory_space<vmem>>) dst(%dma_wait3A_16 : memref<256x22xf32, #tpu.memory_space<hbm>>)
      tpu.yield
    }) : () -> ()
    return
  }
}

</mosaic_0001>

<sc_bundles>
// kernel: kernel.3.cloned.1.call-start
scs
__scs_entry_jumppad:
0x0: {  	(pc) =	sbr.rel $0x88, $3  }
0x1: {  	(tag) =	ssettag $0x0;
	lr =	simm.s32 $0x1  }
0x2: {  	[smem:$0x3F9D] =	sst lr;
	_ =	strace $0xD0000000  }
0x3: {  	_ = 	snop  }
0x4: {  	_ = 	snop  }
0x5: {  	_ = 	snop  }
0x6: {  	_ = 	snop  }
0x7: {  	_ = 	snop  }
__scs_overlays_trampoline_lowered:
0x8: {  	[smem:$0x3FAC] =	sst s0  }
0x9: {  	[smem:$0x3FAD] =	sst s1  }
0xa: {  	[smem:$0x3FAE] =	sst s2  }
0xb: {  	[smem:$0x3FAF] =	sst s3  }
0xc: {  	[smem:$0x3FB0] =	sst s4  }
0xd: {  	[smem:$0x3FB1] =	sst s5  }
0xe: {  	[smem:$0x3FB2] =	sst s6  }
0xf: {  	[smem:$0x3FB3] =	sst s7  }
0x10: {  	[smem:$0x3FB4] =	sst s8  }
0x11: {  	[smem:$0x3FB5] =	sst s9;
	s0 =	simm.s32 @!p0 $0x0  }
0x12: {  	s1 =	sld [smem:$0x3F9B];
	s0 =	simm.s32 @p0 $0x1  }
0x13: {  	[smem:$0x3FB6] =	sst s0;
	s0 =	simm.s32 @!p1 $0x0  }
0x14: {  	s2 =	sld [smem:$0x3F9A];
	s0 =	simm.s32 @p1 $0x1  }
0x15: {  	[smem:$0x3FB7] =	sst s0;
	s0 =	simm.s32 @!p2 $0x0  }
0x16: {  	s3 =	sld [smem:$0x3FDB];
	s0 =	simm.s32 @p2 $0x1  }
0x17: {  	s4 =	simm.s32 $0x1BF5;
	[smem:$0x3FB9] =	sst s0  }
0x18: {  	s0 =	sld [smem:$0x3F9C];
	_ =	swait.ge [sflag:s4], $0x0  }
0x19: {  	s7 =	sld [smem:$0x3F9D]  }
0x1a: {  	s8 =	sadd.s32 $0xFFFFE003, lr  }
0x1b: {  	s9 =	sadd.s32 $0xFFFFFEF7, lr;
	s5 =	simm.s32 $0xFFFFFFFF;
	p2 =	slt.u32 s8, $0xFFFFF086  }
0x1c: {  	p1 =	slt.u32 s9, $0xF7A;
	s5 =	simm.s32 @!p2 $0x0  }
0x1d: {  	s5 =	simm.s32 @p1 $0x1;
	p0 =	seq.s32 s7, s2  }
0x1e: {  	s7 =	smul.u32 @!p0 $0xF7A, s2;
	p2 =	seq.s32 @!p0 s5, $0x0  }
0x1f: {  	s9 =	smul.u32 $0xF7A, s1;
	s8 =	simm.s32 @!p0 $0x1BF5;
	p2 =	por !p2, p0  }
0x20: {  	[sflag:s8] =	ssyncset.s32 @!p0 $0xFFFFF086;
	s6 =	sadd.s32 @!p0 s3, s7;
	s7 =	simm.s32 @!p0 $0x108  }
0x21: {  	s3 =	sadd.s32 s3, s9;
	s6 =	sadd.s32 @!p0 $0x88, s6;
	s7 =	simm.s32 @p2 $0x1082  }
0x22: {  	[simem:s7], [sflag:s8] =	dma.local @!p0 [hbm:s6], $0xF7A  }
0x23: {  	s9 =	sor.u32 $0xD0000000, s2;
	s6 =	simm.s32 $0x108;
	_ =	swait.ge @!p0 [sflag:s8], $0x0  }
0x24: {  	s3 =	sadd.s32 $0x88, s3;
	s6 =	simm.s32 @!p1 $0x1082;
	[sflag:s4] =	ssyncset.s32 $0xFFFFF086  }
0x25: {  	[simem:s6], [sflag:s4] =	dma.local [hbm:s3], $0xF7A  }
0x26: {  	[smem:$0x3F9D] =	sst s1;
	(tag) =	ssettag s2;
	_ =	strace s9  }
0x27: {  	s1 =	sld [smem:$0x3FAD]  }
0x28: {  	s2 =	sld [smem:$0x3FAE]  }
0x29: {  	s4 =	sld [smem:$0x3FB0]  }
0x2a: {  	p0 =	seq.s32 s5, $0x0;
	s5 =	sld [smem:$0x3FB1]  }
0x2b: {  	s6 =	sld [smem:$0x3FB2]  }
0x2c: {  	s7 =	sld [smem:$0x3FB3]  }
0x2d: {  	s3 =	simm.s32 $0x108;
	s8 =	sld [smem:$0x3FB4]  }
0x2e: {  	s3 =	simm.s32 @!p0 $0x1082;
	s9 =	sld [smem:$0x3FB5]  }
0x2f: {  	lr =	sadd.s32 s0, s3;
	s0 =	sld [smem:$0x3FAC]  }
0x30: {  	s3 =	sld [smem:$0x3FAF]  }
0x31: {  	[smem:$0x3FB8] =	sst s10  }
0x32: {  	s10 =	sld [smem:$0x3FB6];
	_ =	sdelay $0x3  }
0x33: {  	p0 =	seq.s32 s10, $0x1;
	s10 =	sld [smem:$0x3FB8];
	_ =	sdelay $0x3  }
0x34: {  	[smem:$0x3FB8] =	sst s10  }
0x35: {  	s10 =	sld [smem:$0x3FB7];
	_ =	sdelay $0x3  }
0x36: {  	p1 =	seq.s32 s10, $0x1;
	s10 =	sld [smem:$0x3FB8];
	_ =	sdelay $0x3  }
0x37: {  	[smem:$0x3FB8] =	sst s10  }
0x38: {  	s10 =	sld [smem:$0x3FB9]  }
0x39: {  	_ = 	snop;
	(pc) =	sbr.ind lr, $3  }
0x3a: {  	_ = 	snop  }
0x3b: {  	_ = 	snop  }
0x3c: {  	p2 =	seq.s32 s10, $0x1;
	s10 =	sld [smem:$0x3FB8]  }
0x3d: {  	_ =	shalt  }
0x3e: {  	_ =	shalt  }
0x3f: {  	_ =	shalt  }
0x40: {  	_ =	shalt  }
0x41: {  	_ =	shalt  }
0x42: {  	_ =	shalt  }
0x43: {  	_ =	shalt  }
0x44: {  	_ =	shalt  }
0x45: {  	_ =	shalt  }
0x46: {  	_ =	shalt  }
0x47: {  	_ =	shalt  }
0x48: {  	_ =	shalt  }
0x49: {  	_ =	shalt  }
0x4a: {  	_ =	shalt  }
0x4b: {  	_ =	shalt  }
0x4c: {  	_ =	shalt  }
0x4d: {  	_ =	shalt  }
0x4e: {  	_ =	shalt  }
0x4f: {  	_ =	shalt  }
0x50: {  	_ =	shalt  }
0x51: {  	_ =	shalt  }
0x52: {  	_ =	shalt  }
0x53: {  	_ =	shalt  }
0x54: {  	_ =	shalt  }
0x55: {  	_ =	shalt  }
0x56: {  	_ =	shalt  }
0x57: {  	_ =	shalt  }
0x58: {  	_ =	shalt  }
0x59: {  	_ =	shalt  }
0x5a: {  	_ =	shalt  }
0x5b: {  	_ =	shalt  }
0x5c: {  	_ =	shalt  }
0x5d: {  	_ =	shalt  }
0x5e: {  	_ =	shalt  }
0x5f: {  	_ =	shalt  }
0x60: {  	_ =	shalt  }
0x61: {  	_ =	shalt  }
0x62: {  	_ =	shalt  }
0x63: {  	_ =	shalt  }
0x64: {  	_ =	shalt  }
0x65: {  	_ =	shalt  }
0x66: {  	_ =	shalt  }
0x67: {  	_ =	shalt  }
0x68: {  	_ =	shalt  }
0x69: {  	_ =	shalt  }
0x6a: {  	_ =	shalt  }
0x6b: {  	_ =	shalt  }
0x6c: {  	_ =	shalt  }
0x6d: {  	_ =	shalt  }
0x6e: {  	_ =	shalt  }
0x6f: {  	_ =	shalt  }
0x70: {  	_ =	shalt  }
0x71: {  	_ =	shalt  }
0x72: {  	_ =	shalt  }
0x73: {  	_ =	shalt  }
0x74: {  	_ =	shalt  }
0x75: {  	_ =	shalt  }
0x76: {  	_ =	shalt  }
0x77: {  	_ =	shalt  }
0x78: {  	_ =	shalt  }
0x79: {  	_ =	shalt  }
0x7a: {  	_ =	shalt  }
0x7b: {  	_ =	shalt  }
0x7c: {  	_ =	shalt  }
0x7d: {  	_ =	shalt  }
0x7e: {  	_ =	shalt  }
0x7f: {  	_ =	shalt  }
0x80: {  	_ =	shalt  }
0x81: {  	_ =	shalt  }
0x82: {  	_ =	shalt  }
0x83: {  	_ =	shalt  }
0x84: {  	_ =	shalt  }
0x85: {  	_ =	shalt  }
0x86: {  	_ =	shalt  }
0x87: {  	_ =	shalt  }
.Lfunc_end0:
.L_simem_size_0:
called_computation_lowered:
.L_overlay_start_0:
0x88: {  	s2 =	sld [smem:$0x3FD9]  }
0x89: {  	s3 =	sld [smem:$0x3FFE];
	_ =	sdelay $0x1  }
0x8a: {  	s1 =	srdreg.scid  }
0x8b: {  	s0 =	sand.u32 $0x1, s1  }
0x8c: {  	s17 =	sshll.u32 s0, $0xA;
	s2 =	sadd.s32 s3, s2  }
0x8d: {  	s2 =	sadd.s32 s2, s17  }
0x8e: {  	[smem:$0x3FC4] =	sst s2  }
0x8f: {  	_ = 	snop  }
0x90: {  	s2 =	sld [smem:$0x3FC9];
	(tm) =	ssettm $0x1  }
0x91: {  	s18 =	sld [smem:$0x3FFB];
	_ =	sdelay $0x3  }
0x92: {  	_ =	strace s18  }
0x93: {  	s3 =	sld [smem:$0x3FFC];
	_ =	sdelay $0x3  }
0x94: {  	_ =	strace s3  }
0x95: {  	s3 =	sld [smem:$0x3FFD];
	_ =	sdelay $0x3  }
0x96: {  	_ =	strace s3  }
0x97: {  	_ =	strace $0x8FFFFFFF  }
0x98: {  	s19 =	sld [smem:$0x3FDB];
	_ =	sdelay $0x1  }
0x99: {  	s4 =	simm.s32 $_scs_section_size  }
0x9a: {  	s5 =	simm.s32 $_size__tile_overlayer_lowered;
	s6 =	simm.s32 $_tile_overlayer_lowered  }
0x9b: {  	s22 =	simm.s32 $0x1BFF;
	s21 =	sshll.u32 s6, $0x1;
	s3 =	sadd.s32 s4, s19  }
0x9c: {  	s7 =	simm.s32 $0x0;
	s20 =	sshll.u32 s5, $0x1;
	s5 =	sadd.s32 s21, s3  }
0x9d: {  	[timem:s7], [sflag:s22] =	dma.local [hbm:s5], s20  }
0x9e: {  	_ =	swait.ge [sflag:s22], s20  }
0x9f: {  	s4 =	ssub.s32 $0x0, s20;
	[sflag:s22] =	ssyncset.done $0x0  }
0xa0: {  	[sflag:s22] =	ssyncadd.s32 s4;
	_ =	sdelay $0x1  }
0xa1: {  	s23 =	simm.s32 $0x1B8B  }
0xa2: {  	_ =	swait.ge [sflag:s23], $0x1  }
0xa3: {  	[sflag:s23] =	ssyncset.done $0x0  }
0xa4: {  	s25 =	simm.s32 $0x1B8E;
	s24 =	sld [smem:$0x3FFE];
	[sflag:s23] =	ssyncadd.s32 $0xFFFFFFFF  }
0xa5: {  	s26 =	simm.s32 $execute0_lowered;
	[smem:$0x3FD2] =	sst s25  }
0xa6: {  	s5 =	sshll.u32 s26, $0x1;
	_ =	strace $0x80000046;
	[dreg:$0x1] =	wrdreg $0xFFFFFFFF  }
0xa7: {  	s28 =	simm.s32 $_size_execute0_lowered;
	s3 =	sadd.s32 s3, s5;
	[dreg:$0x0] =	wrdreg $0x0  }
0xa8: {  	s5 =	sshll.u32 s28, $0x1;
	[dreg:$0x2] =	wrdreg s3  }
0xa9: {  	[dreg:$0x3] =	wrdreg s5  }
0xaa: {  	[dreg:$0x4] =	wrdreg $0xC0  }
0xab: {  	_ =	task [dreg:s7], $0x5FFFF  }
0xac: {  	[dreg:$0x1] =	wrdreg $0xFFFFFFFF  }
0xad: {  	[dreg:$0x0] =	wrdreg $0x60  }
0xae: {  	[dreg:$0x2] =	wrdreg s2  }
0xaf: {  	[dreg:$0x3] =	wrdreg s24  }
0xb0: {  	[dreg:$0x4] =	wrdreg $0x9  }
0xb1: {  	_ =	task.clear_ibuf [dreg:s7], $0x5FFFF;
	_ =	strace $0x90000046  }
0xb2: {  	s29 =	simm.s32 $0x9;
	_ =	strace $0x80000048  }
0xb3: {  	_ =	swait.ge [sflag:s29], $0x1  }
0xb4: {  	[sflag:s29] =	ssyncadd.s32 $0xFFFFFFFF  }
0xb5: {  	_ =	strace $0x90000048  }
0xb6: {  	_ =	sfence  }
0xb7: {  	s30 =	sld [smem:$0x0];
	_ =	sdelay $0x2  }
0xb8: {  	s31 =	sshll.u32 s1, $0xD;
	s1 =	sshrl.u32 s1, $0x2  }
0xb9: {  	s3 =	sand.u32 $0x4000, s31;
	s1 =	sadd.s32 s1, s30  }
0xba: {  	s0 =	sor.u32 s3, s0;
	s1 =	sshll.u32 s1, $0x11  }
0xbb: {  	s0 =	sor.u32 s1, s0  }
0xbc: {  	s0 =	sadd.s32 $0x8F2B, s0  }
0xbd: {  	[sflag:s0] =	ssyncadd.remote.s32 $0x1  }
0xbe: {  	_ =	sfence.sel $0xFFFF  }
0xbf: {  	[dreg:$0x0] =	wrdreg $0xFFFFFFFF;
	(pc) =	sbr.abs _section_cstart, $3  }
0xc0: {  	[dreg:$0x1] =	wrdreg $0xFFFFFFFF  }
0xc1: {  	_ =	task.clear_ibuf [dreg:s7], $0x2FFFF;
	_ =	strace $0x9FFFFFFF  }
0xc2: {  	(tm) =	ssettm $0x7FFFFFFF  }
0xc3: {  	_ =	shalt  }
tec
execute0_lowered:
.L_overlay_start_1:
0x0: {  	(tag) =	ssettag $0x1  }
0x1: {  	s1 =	srdreg.scid  }
0x2: {  	s3 =	rddreg [dreg:$0x0];
	s0 =	stileid.u32;
	s9 =	sand.u32 $0x1, s1  }
0x3: {  	s7 =	rddreg [dreg:$0x1];
	s4 =	sshll.u32 s0, $0xA;
	s5 =	sshll.u32 s9, $0x9  }
0x4: {  	s2 =	simm.s32 $0x0;
	s1 =	rddreg [dreg:$0x2];
	s5 =	sor.u32 s5, s4  }
0x5: {  	[smem:$0x7FF] =	sst s2;
	s4 =	sshrl.u32 s5, $0x3  }
0x6: {  	_ =	strace $0x80000047;
	s4 =	sadd.s32 s3, s4;
	s3 =	simm.s32 $0x1  }
0x7: {  	[tilespmem:s2], [sflag:$0x1] =	stream.linear.gather [hbm4b:s4+s2], $0x200, $0x38;
	[tilespmem:$0x10200] =	vst v63  }
0x8: {  	_ =	swait.ge [sflag:s3], $0x200  }
0x9: {  	s10 =	sadd.s32 $0xF42E00, s7;
	s11 =	sshll.u32 s5, $0x4;
	[sflag:s3] =	ssyncset.done $0x0  }
0xa: {  	s6 =	simm.s32 $0x200;
	s5 =	sadd.s32 s10, s11;
	[sflag:s3] =	ssyncadd.s32 $0xFFFFFE00  }
0xb: {  	[hbm4b:s5+s2] =	stream.linear.scatter [tilespmem:s6], [sflag:$0x1], $0x8000, $0x38;
	[tilespmem:$0x10200] =	vst v63  }
0xc: {  	_ =	swait.ge [sflag:s3], $0x8000  }
0xd: {  	s8 =	simm.s32 $0x8200;
	s12 =	sadd.s32 $0xF82E00, s7;
	[sflag:s3] =	ssyncset.done $0x0  }
0xe: {  	s13 =	ssub.s32 $0x2, s9;
	s7 =	sadd.s32 s12, s11;
	[sflag:s3] =	ssyncadd.s32 $0xFFFF8000  }
0xf: {  	[hbm4b:s7+s2] =	stream.linear.scatter [tilespmem:s8], [sflag:$0x1], $0x8000, $0x38;
	[tilespmem:$0x10200] =	vst v63  }
0x10: {  	s30 =	sshrl.u32 s13, $0x1;
	_ =	swait.ge [sflag:s3], $0x8000  }
0x11: {  	s13 =	ssub.s32 s13, s30;
	s11 =	sor.u32 $0x1000, s11;
	[sflag:s3] =	ssyncset.done $0x0  }
0x12: {  	s31 =	smax.u32 s13, $0x1;
	s9 =	sadd.s32 s10, s11;
	[sflag:s3] =	ssyncadd.s32 $0xFFFF8000  }
0x13: {  	[hbm4b:s9+s2] =	stream.linear.scatter [tilespmem:s6], [sflag:$0x1], $0x8000, $0x38;
	[tilespmem:$0x10200] =	vst v63  }
0x14: {  	p0 =	sne.s32 s31, $0x1;
	_ =	swait.ge [sflag:s3], $0x8000  }
.Ltmp0:
0x15: {  	[sflag:s3] =	ssyncset.done $0x0;
	(pc) =	sbr.rel @!p0 .LBB2_2-.Ltmp0, $4  }
0x16: {  	s10 =	sadd.s32 s12, s11;
	[sflag:s3] =	ssyncadd.s32 $0xFFFF8000  }
0x17: {  	[hbm4b:s10+s2] =	stream.linear.scatter [tilespmem:s8], [sflag:$0x1], $0x8000, $0x38;
	[tilespmem:$0x10200] =	vst v63  }
0x18: {  	_ =	swait.ge [sflag:s3], $0x8000  }
0x19: {  	s11 =	sadd.s32 $0xFFFFFFFF, s31;
	[sflag:s3] =	ssyncset.done $0x0  }
.LBB2_1:
0x1a: {  	p0 =	sne.s32 s11, $0x1;
	s11 =	sadd.s32 $0xFFFFFFFF, s11;
	[sflag:s3] =	ssyncadd.s32 $0xFFFF8000  }
0x1b: {  	[tilespmem:s2], [sflag:$0x1] =	stream.linear.gather [hbm4b:s4+s2], $0x200, $0x38;
	[tilespmem:$0x10200] =	vst v63  }
0x1c: {  	_ =	swait.ge [sflag:s3], $0x200  }
0x1d: {  	[sflag:s3] =	ssyncset.done $0x0  }
0x1e: {  	[sflag:s3] =	ssyncadd.s32 $0xFFFFFE00  }
0x1f: {  	[hbm4b:s5+s2] =	stream.linear.scatter [tilespmem:s6], [sflag:$0x1], $0x8000, $0x38;
	[tilespmem:$0x10200] =	vst v63  }
0x20: {  	_ =	swait.ge [sflag:s3], $0x8000  }
0x21: {  	[sflag:s3] =	ssyncset.done $0x0  }
0x22: {  	[sflag:s3] =	ssyncadd.s32 $0xFFFF8000  }
0x23: {  	[hbm4b:s7+s2] =	stream.linear.scatter [tilespmem:s8], [sflag:$0x1], $0x8000, $0x38;
	[tilespmem:$0x10200] =	vst v63  }
0x24: {  	_ =	swait.ge [sflag:s3], $0x8000  }
0x25: {  	[sflag:s3] =	ssyncset.done $0x0  }
0x26: {  	[sflag:s3] =	ssyncadd.s32 $0xFFFF8000  }
0x27: {  	[hbm4b:s9+s2] =	stream.linear.scatter [tilespmem:s6], [sflag:$0x1], $0x8000, $0x38;
	[tilespmem:$0x10200] =	vst v63  }
0x28: {  	_ =	swait.ge [sflag:s3], $0x8000  }
.Ltmp1:
0x29: {  	[sflag:s3] =	ssyncset.done $0x0;
	(pc) =	sbr.rel @p0 .LBB2_1-.Ltmp1, $4  }
0x2a: {  	[sflag:s3] =	ssyncadd.s32 $0xFFFF8000  }
0x2b: {  	[hbm4b:s10+s2] =	stream.linear.scatter [tilespmem:s8], [sflag:$0x1], $0x8000, $0x38;
	[tilespmem:$0x10200] =	vst v63  }
0x2c: {  	_ =	swait.ge [sflag:s3], $0x8000  }
0x2d: {  	[sflag:s3] =	ssyncset.done $0x0  }
.LBB2_2:
0x2e: {  	[sflag:s3] =	ssyncadd.s32 $0xFFFF8000  }
0x2f: {  	_ =	sfence.sel $0x180000  }
0x30: {  	[bflag:$0x0] =	sbarrier.arrive $0xFFFF  }
0x31: {  	p0 =	sne.s32 s0, $0x0;
	_ =	strace $0x90000047  }
0x32: {  	s0 =	sadd.s32 @!p0 $0x100000, s1;
	[bflag:$0x2] =	sbarrier.arrive $0xFFFF  }
0x33: {  	[sflag:s0] =	ssyncadd.tile.s32 @!p0 $0x1;
	_ =	shalt  }
.Lfunc_end2:
_tile_overlayer_lowered:
.L_overlay_start_2:
0x34: {  	(tag) =	ssettag $0x2  }
0x35: {  	s0 =	rddreg [dreg:$0x0];
	s2 =	stileid.u32  }
0x36: {  	s1 =	rddreg [dreg:$0x1];
	p0 =	sne.s32 s2, $0x0  }
0x37: {  	s3 =	rddreg [dreg:$0x2];
	[bflag:$0x3] =	sbarrier.arrive $0xFFFF;
	s2 =	simm.s32 @!p0 $0x1C01  }
0x38: {  	[timem:s3], [sflag:s2] =	dma.local @!p0 [hbm:s0], s1  }
0x39: {  	s0 =	simm.s32 @!p0 $0x1  }
0x3a: {  	_ =	swait.ge @!p0 [sflag:s0], s1  }
0x3b: {  	s1 =	ssub.s32 @!p0 $0x0, s1;
	[sflag:s0] =	ssyncset.done @!p0 $0x0  }
0x3c: {  	[sflag:s0] =	ssyncadd.s32 @!p0 s1  }
0x3d: {  	[bflag:$0x3] =	sbarrier.arrive $0xFFFF  }
0x3e: {  	_ =	shalt  }

</sc_bundles>
